<compile_context>
chip_gen: v7x
topology: tpu7x:2x2x1
jax: 0.10.2.dev20260603
libtpu: 0.0.44.dev20260713+nightly
codegen_flags: <defaults>
</compile_context>

<pallas_src>
import functools

import jax
import jax.numpy as jnp
from jax import lax
from jax.experimental import pallas as pl
from jax.experimental.pallas import tpu as pltpu
from jax.experimental.pallas import tpu_sc as plsc

B = 16384
D = 64
O = 16
N = 1000000
_PBLK = 32768
_NBLK = (N + _PBLK - 1) // _PBLK
_YROWS = _PBLK // 8
G = _NBLK * _YROWS
_SH_B = _PBLK.bit_length() - 1
_SH_K = _YROWS.bit_length() - 1
_MASK_G = _YROWS - 1

_info = plsc.get_sparse_core_info()
_NC, _NS = _info.num_cores, _info.num_subcores
_NW = _NC * _NS
_BPW = B // _NW
_L = 16


def _proj_body(tT_ref, w_ref, b_ref, y_ref):
    yt = jnp.dot(w_ref[...], tT_ref[...], preferred_element_type=jnp.float32)
    yt_bf = yt.astype(jnp.bfloat16)
    l = jnp.concatenate(
        [yt_bf[:, k * _YROWS : (k + 1) * _YROWS] for k in range(8)], axis=0
    )
    row = lax.broadcasted_iota(jnp.int32, (128, 128), 0)
    col = lax.broadcasted_iota(jnp.int32, (128, 128), 1)
    i128 = (row == col).astype(jnp.bfloat16)
    y_ref[...] = b_ref[...] + jax.lax.dot_general(
        l,
        i128,
        dimension_numbers=(((0,), (0,)), ((), ())),
        preferred_element_type=jnp.float32,
    )


def _project(tT, w, b128):
    return pl.pallas_call(
        _proj_body,
        grid=(_NBLK,),
        in_specs=[
            pl.BlockSpec((D, _PBLK), lambda i: (0, i)),
            pl.BlockSpec((O, D), lambda i: (0, 0)),
            pl.BlockSpec((1, 128), lambda i: (0, 0)),
        ],
        out_specs=pl.BlockSpec((_YROWS, 128), lambda i: (i, 0)),
        out_shape=jax.ShapeDtypeStruct((G, 128), jnp.float32),
        compiler_params=pltpu.CompilerParams(
            dimension_semantics=("parallel",),
            fuse_transposed_lhs_in_matmul=True,
        ),
    )(tT, w, b128)


def _make_gather():
    mesh = plsc.VectorSubcoreMesh(core_axis_name="c", subcore_axis_name="s")

    @functools.partial(
        pl.kernel,
        mesh=mesh,
        out_type=jax.ShapeDtypeStruct((O, B), jnp.float32),
        scratch_types=[
            pltpu.VMEM((_BPW,), jnp.int32),
            pltpu.VMEM((_BPW,), jnp.int32),
            pltpu.VMEM((_BPW, 128), jnp.float32),
            pltpu.VMEM((O, _BPW), jnp.float32),
            pltpu.SemaphoreType.DMA,
        ],
        compiler_params=pltpu.CompilerParams(needs_layout_passes=False),
    )
    def gather_k(y_hbm, ids_hbm, outT_hbm, ids_v, idx_v, rows_v, sel_v, sem):
        wid = lax.axis_index("s") * _NC + lax.axis_index("c")
        base = wid * _BPW
        pltpu.sync_copy(ids_hbm.at[pl.ds(base, _BPW)], ids_v)

        def mk_idx(j, _):
            n = ids_v[pl.ds(j * _L, _L)]
            idx_v[pl.ds(j * _L, _L)] = ((n >> _SH_B) << _SH_K) | (n & _MASK_G)
            return _

        lax.fori_loop(0, _BPW // _L, mk_idx, None)
        pltpu.async_copy(y_hbm.at[idx_v], rows_v, sem).wait()

        lane = lax.iota(jnp.int32, _L)

        def select(j, _):
            n = ids_v[pl.ds(j * _L, _L)]
            sub = ((n >> _SH_K) & 7) * 16
            row_idx = j * _L + lane
            for o in range(O):
                vals = plsc.load_gather(rows_v, [row_idx, sub + o])
                plsc.store_scatter(sel_v, [lane * 0 + o, row_idx], vals)
            return _

        lax.fori_loop(0, _BPW // _L, select, None)
        pltpu.sync_copy(sel_v, outT_hbm.at[:, pl.ds(base, _BPW)])

    return gather_k


_gather = _make_gather()


def kernel(ids, table, W, b):
    ids = ids.astype(jnp.int32)
    b128 = jnp.tile(b, 8).reshape(1, 128)
    y = _project(table.T, W, b128)
    outT = _gather(y, ids)
    return outT.T

# --- scband reference (transcript-rebuilt; emitter-appended) ---
"""Pipeline reference for scband-mlp-82480551952782 (READ-ONLY COPY).

The authoritative reference and input builder live on the scoring server;
editing this copy changes nothing except your own understanding.
"""

import jax, jax.numpy as jnp
import numpy as np

NUM_NODE = 1000000
EMBED = 64
OUT = 16

def setup_inputs(seed: int = 0) -> dict:
    key = jax.random.key(seed)
    k_ids, k_tab, k_w, k_b = jax.random.split(key, 4)
    ids = jax.random.randint(k_ids, (16384,), 0, NUM_NODE, dtype=jnp.int64 if jax.config.jax_enable_x64 else jnp.int32)
    bound = 0.5 / EMBED
    table = jax.random.uniform(k_tab, (NUM_NODE, EMBED), dtype=jnp.float32, minval=-bound, maxval=bound)
    # nn.Linear default init: U(-1/sqrt(fan_in), 1/sqrt(fan_in))
    lim = 1.0 / np.sqrt(EMBED)
    W = jax.random.uniform(k_w, (OUT, EMBED), dtype=jnp.float32, minval=-lim, maxval=lim)
    b = jax.random.uniform(k_b, (OUT,), dtype=jnp.float32, minval=-lim, maxval=lim)
    return {"ids": ids, "table": table, "W": W, "b": b}

def reference(ids, table, W, b):
    X = jnp.take(table, ids, axis=0)          # [B, EMBED] embedding lookup
    out = X @ W.T + b                          # [B, OUT] linear classifier
    return out

if __name__ == "__main__":
    import jax
    _d = setup_inputs()
    print(jax.jit(kernel)(*tuple(_d.values())))

</pallas_src>

<mosaic_0001>
#map = affine_map<(d0, d1) -> (0, 0)>
#map1 = affine_map<(d0, d1) -> (0)>
module attributes {stable_mosaic.version = 14 : i64} {
  func.func @gather_k(%arg0: i32, %arg1: i32, %arg2: memref<126976x128xf32, #tpu.memory_space<hbm>>, %arg3: memref<16384xi32, #tpu.memory_space<hbm>>, %arg4: memref<16x16384xf32, #tpu.memory_space<hbm>>, %arg5: memref<512xi32, #tpu.memory_space<vmem>>, %arg6: memref<512xi32, #tpu.memory_space<vmem>>, %arg7: memref<512x128xf32, #tpu.memory_space<vmem>>, %arg8: memref<16x512xf32, #tpu.memory_space<vmem>>, %arg9: memref<!tpu.dma_semaphore, #tpu.memory_space<semaphore_mem>>) attributes {dimension_semantics = [#tpu.dimension_semantics<core_parallel>, #tpu.dimension_semantics<subcore_parallel>], iteration_bounds = array<i64: 2, 16>, scalar_prefetch = 0 : i64, scratch_operands = 5 : i64, tpu.core_type = #tpu.core_type<sc_vector_subcore>, window_params = [{transform_indices = #map}, {transform_indices = #map1}, {transform_indices = #map}]} {
    %mul3A = arith.constant 2 : i32
    %mul3A_0 = arith.muli %arg1, %mul3A : i32
    %add3A = arith.addi %mul3A_0, %arg0 : i32
    %mul3A_1 = arith.constant 512 : i32
    %mul3A_2 = arith.muli %add3A, %mul3A_1 : i32
    "tpu.region"() ({
      %run_scoped3A = tpu.sem_alloc : memref<!tpu.dma_semaphore, #tpu.memory_space<semaphore_mem>>
      %dma_start3A_16 = tpu.memref_slice %arg3[%mul3A_2] : memref<16384xi32, #tpu.memory_space<hbm>> -> memref<512xi32, #tpu.memory_space<hbm>>
      %dma_start3A_17 = tpu.memref_slice %arg3[%mul3A_2] : memref<16384xi32, #tpu.memory_space<hbm>> -> memref<512xi32, #tpu.memory_space<hbm>>
      tpu.enqueue_dma source(%dma_start3A_17 : memref<512xi32, #tpu.memory_space<hbm>>) target(%arg5 : memref<512xi32, #tpu.memory_space<vmem>>) target_semaphore(%run_scoped3A : memref<!tpu.dma_semaphore, #tpu.memory_space<semaphore_mem>>)
      %dma_wait3A_18 = tpu.memref_slice %arg3[%mul3A_2] : memref<16384xi32, #tpu.memory_space<hbm>> -> memref<512xi32, #tpu.memory_space<hbm>>
      %dma_wait3A_19 = tpu.memref_slice %arg3[%mul3A_2] : memref<16384xi32, #tpu.memory_space<hbm>> -> memref<512xi32, #tpu.memory_space<hbm>>
      tpu.wait_dma2 semaphore(%run_scoped3A : memref<!tpu.dma_semaphore, #tpu.memory_space<semaphore_mem>>) src(%dma_wait3A_19 : memref<512xi32, #tpu.memory_space<hbm>>) dst(%arg5 : memref<512xi32, #tpu.memory_space<vmem>>)
      tpu.yield
    }) : () -> ()
    %scan3A = arith.constant 0 : i32
    %scan3A_3 = arith.constant 32 : i32
    %scan3A_4 = arith.addi %scan3A, %scan3A_3 : i32
    %scan3A_5 = arith.constant 1 : i32
    scf.for %scan3A_16 = %scan3A to %scan3A_4 step %scan3A_5  : i32 {
      %mul3A_17 = arith.constant 16 : i32
      %mul3A_18 = arith.muli %scan3A_16, %mul3A_17 : i32
      %get3A = arith.index_cast %mul3A_18 : i32 to index
      %get3A_19 = tpu.vector_load %arg5[%get3A] {strides = array<i32>} : memref<512xi32, #tpu.memory_space<vmem>>, vector<16xi32>,
      %shift_right_arithmetic3A = arith.constant 15 : i32
      %shift_right_arithmetic3A_20 = vector.broadcast %shift_right_arithmetic3A : i32 to vector<16xi32>
      %shift_right_arithmetic3A_21 = arith.shrsi %get3A_19, %shift_right_arithmetic3A_20 : vector<16xi32>
      %shift_left3A = arith.constant 12 : i32
      %shift_left3A_22 = vector.broadcast %shift_left3A : i32 to vector<16xi32>
      %shift_left3A_23 = arith.shli %shift_right_arithmetic3A_21, %shift_left3A_22 : vector<16xi32>
      %and3A = arith.constant 4095 : i32
      %and3A_24 = vector.broadcast %and3A : i32 to vector<16xi32>
      %and3A_25 = arith.andi %get3A_19, %and3A_24 : vector<16xi32>
      %or3A = arith.ori %shift_left3A_23, %and3A_25 : vector<16xi32>
      %mul3A_26 = arith.constant 16 : i32
      %mul3A_27 = arith.muli %scan3A_16, %mul3A_26 : i32
      %swap3A = arith.index_cast %mul3A_27 : i32 to index
      %swap3A_28 = tpu.vector_load %arg6[%swap3A] {strides = array<i32>} : memref<512xi32, #tpu.memory_space<vmem>>, vector<16xi32>,
      tpu.vector_store %arg6[%swap3A], %or3A {strides = array<i32>} : memref<512xi32, #tpu.memory_space<vmem>>, vector<16xi32>,
    }
    %scan3A_6 = arith.constant 32 : i32
    %dma_start3A = arith.constant 0 : i32
    %dma_start3A_7 = arith.constant 0 : i32
    %dma_start3A_8 = tpu.memref_slice %arg2[%dma_start3A, %dma_start3A_7] : memref<126976x128xf32, #tpu.memory_space<hbm>> -> memref<126976x128xf32, #tpu.memory_space<hbm>>
    tpu.enqueue_indirect_dma source(%dma_start3A_8 : memref<126976x128xf32, #tpu.memory_space<hbm>>) target(%arg7 : memref<512x128xf32, #tpu.memory_space<vmem>>) offsets(%arg6 : memref<512xi32, #tpu.memory_space<vmem>>) semaphore(%arg9 : memref<!tpu.dma_semaphore, #tpu.memory_space<semaphore_mem>>)
    %dma_wait3A = arith.constant 0 : i32
    %dma_wait3A_9 = arith.constant 0 : i32
    %dma_wait3A_10 = tpu.memref_slice %arg2[%dma_wait3A, %dma_wait3A_9] : memref<126976x128xf32, #tpu.memory_space<hbm>> -> memref<126976x128xf32, #tpu.memory_space<hbm>>
    tpu.wait_indirect_dma semaphore(%arg9 : memref<!tpu.dma_semaphore, #tpu.memory_space<semaphore_mem>>) src(%dma_wait3A_10 : memref<126976x128xf32, #tpu.memory_space<hbm>>) dst(%arg7 : memref<512x128xf32, #tpu.memory_space<vmem>>)
    %iota3A = tpu.iota {dimensions = array<i32: 0>} : vector<16xi32>
    %scan3A_11 = arith.constant 0 : i32
    %scan3A_12 = arith.constant 32 : i32
    %scan3A_13 = arith.addi %scan3A_11, %scan3A_12 : i32
    %scan3A_14 = arith.constant 1 : i32
    scf.for %scan3A_16 = %scan3A_11 to %scan3A_13 step %scan3A_14  : i32 {
      %mul3A_17 = arith.constant 16 : i32
      %mul3A_18 = arith.muli %scan3A_16, %mul3A_17 : i32
      %get3A = arith.index_cast %mul3A_18 : i32 to index
      %get3A_19 = tpu.vector_load %arg5[%get3A] {strides = array<i32>} : memref<512xi32, #tpu.memory_space<vmem>>, vector<16xi32>,
      %shift_right_arithmetic3A = arith.constant 12 : i32
      %shift_right_arithmetic3A_20 = vector.broadcast %shift_right_arithmetic3A : i32 to vector<16xi32>
      %shift_right_arithmetic3A_21 = arith.shrsi %get3A_19, %shift_right_arithmetic3A_20 : vector<16xi32>
      %and3A = arith.constant 7 : i32
      %and3A_22 = vector.broadcast %and3A : i32 to vector<16xi32>
      %and3A_23 = arith.andi %shift_right_arithmetic3A_21, %and3A_22 : vector<16xi32>
      %mul3A_24 = arith.constant 16 : i32
      %mul3A_25 = vector.broadcast %mul3A_24 : i32 to vector<16xi32>
      %mul3A_26 = arith.muli %and3A_23, %mul3A_25 : vector<16xi32>
      %mul3A_27 = arith.constant 16 : i32
      %mul3A_28 = arith.muli %scan3A_16, %mul3A_27 : i32
      %add3A_29 = vector.broadcast %mul3A_28 : i32 to vector<16xi32>
      %add3A_30 = arith.addi %add3A_29, %iota3A : vector<16xi32>
      %add3A_31 = arith.constant 0 : i32
      %add3A_32 = vector.broadcast %add3A_31 : i32 to vector<16xi32>
      %add3A_33 = arith.addi %mul3A_26, %add3A_32 : vector<16xi32>
      %gather3A = tpu.vector_load_idx %arg7[%add3A_30, %add3A_33] : memref<512x128xf32, #tpu.memory_space<vmem>>[vector<16xi32>, vector<16xi32>], vector<16xf32>,
      %mul3A_34 = arith.constant 0 : i32
      %mul3A_35 = vector.broadcast %mul3A_34 : i32 to vector<16xi32>
      %mul3A_36 = arith.muli %iota3A, %mul3A_35 : vector<16xi32>
      %add3A_37 = arith.constant 0 : i32
      %add3A_38 = vector.broadcast %add3A_37 : i32 to vector<16xi32>
      %add3A_39 = arith.addi %mul3A_36, %add3A_38 : vector<16xi32>
      tpu.vector_store_idx %arg8[%add3A_39, %add3A_30], %gather3A : memref<16x512xf32, #tpu.memory_space<vmem>>[vector<16xi32>, vector<16xi32>], vector<16xf32>,
      %add3A_40 = arith.constant 1 : i32
      %add3A_41 = vector.broadcast %add3A_40 : i32 to vector<16xi32>
      %add3A_42 = arith.addi %mul3A_26, %add3A_41 : vector<16xi32>
      %gather3A_43 = tpu.vector_load_idx %arg7[%add3A_30, %add3A_42] : memref<512x128xf32, #tpu.memory_space<vmem>>[vector<16xi32>, vector<16xi32>], vector<16xf32>,
      %mul3A_44 = arith.constant 0 : i32
      %mul3A_45 = vector.broadcast %mul3A_44 : i32 to vector<16xi32>
      %mul3A_46 = arith.muli %iota3A, %mul3A_45 : vector<16xi32>
      %add3A_47 = arith.constant 1 : i32
      %add3A_48 = vector.broadcast %add3A_47 : i32 to vector<16xi32>
      %add3A_49 = arith.addi %mul3A_46, %add3A_48 : vector<16xi32>
      tpu.vector_store_idx %arg8[%add3A_49, %add3A_30], %gather3A_43 : memref<16x512xf32, #tpu.memory_space<vmem>>[vector<16xi32>, vector<16xi32>], vector<16xf32>,
      %add3A_50 = arith.constant 2 : i32
      %add3A_51 = vector.broadcast %add3A_50 : i32 to vector<16xi32>
      %add3A_52 = arith.addi %mul3A_26, %add3A_51 : vector<16xi32>
      %gather3A_53 = tpu.vector_load_idx %arg7[%add3A_30, %add3A_52] : memref<512x128xf32, #tpu.memory_space<vmem>>[vector<16xi32>, vector<16xi32>], vector<16xf32>,
      %mul3A_54 = arith.constant 0 : i32
      %mul3A_55 = vector.broadcast %mul3A_54 : i32 to vector<16xi32>
      %mul3A_56 = arith.muli %iota3A, %mul3A_55 : vector<16xi32>
      %add3A_57 = arith.constant 2 : i32
      %add3A_58 = vector.broadcast %add3A_57 : i32 to vector<16xi32>
      %add3A_59 = arith.addi %mul3A_56, %add3A_58 : vector<16xi32>
      tpu.vector_store_idx %arg8[%add3A_59, %add3A_30], %gather3A_53 : memref<16x512xf32, #tpu.memory_space<vmem>>[vector<16xi32>, vector<16xi32>], vector<16xf32>,
      %add3A_60 = arith.constant 3 : i32
      %add3A_61 = vector.broadcast %add3A_60 : i32 to vector<16xi32>
      %add3A_62 = arith.addi %mul3A_26, %add3A_61 : vector<16xi32>
      %gather3A_63 = tpu.vector_load_idx %arg7[%add3A_30, %add3A_62] : memref<512x128xf32, #tpu.memory_space<vmem>>[vector<16xi32>, vector<16xi32>], vector<16xf32>,
      %mul3A_64 = arith.constant 0 : i32
      %mul3A_65 = vector.broadcast %mul3A_64 : i32 to vector<16xi32>
      %mul3A_66 = arith.muli %iota3A, %mul3A_65 : vector<16xi32>
      %add3A_67 = arith.constant 3 : i32
      %add3A_68 = vector.broadcast %add3A_67 : i32 to vector<16xi32>
      %add3A_69 = arith.addi %mul3A_66, %add3A_68 : vector<16xi32>
      tpu.vector_store_idx %arg8[%add3A_69, %add3A_30], %gather3A_63 : memref<16x512xf32, #tpu.memory_space<vmem>>[vector<16xi32>, vector<16xi32>], vector<16xf32>,
      %add3A_70 = arith.constant 4 : i32
      %add3A_71 = vector.broadcast %add3A_70 : i32 to vector<16xi32>
      %add3A_72 = arith.addi %mul3A_26, %add3A_71 : vector<16xi32>
      %gather3A_73 = tpu.vector_load_idx %arg7[%add3A_30, %add3A_72] : memref<512x128xf32, #tpu.memory_space<vmem>>[vector<16xi32>, vector<16xi32>], vector<16xf32>,
      %mul3A_74 = arith.constant 0 : i32
      %mul3A_75 = vector.broadcast %mul3A_74 : i32 to vector<16xi32>
      %mul3A_76 = arith.muli %iota3A, %mul3A_75 : vector<16xi32>
      %add3A_77 = arith.constant 4 : i32
      %add3A_78 = vector.broadcast %add3A_77 : i32 to vector<16xi32>
      %add3A_79 = arith.addi %mul3A_76, %add3A_78 : vector<16xi32>
      tpu.vector_store_idx %arg8[%add3A_79, %add3A_30], %gather3A_73 : memref<16x512xf32, #tpu.memory_space<vmem>>[vector<16xi32>, vector<16xi32>], vector<16xf32>,
      %add3A_80 = arith.constant 5 : i32
      %add3A_81 = vector.broadcast %add3A_80 : i32 to vector<16xi32>
      %add3A_82 = arith.addi %mul3A_26, %add3A_81 : vector<16xi32>
      %gather3A_83 = tpu.vector_load_idx %arg7[%add3A_30, %add3A_82] : memref<512x128xf32, #tpu.memory_space<vmem>>[vector<16xi32>, vector<16xi32>], vector<16xf32>,
      %mul3A_84 = arith.constant 0 : i32
      %mul3A_85 = vector.broadcast %mul3A_84 : i32 to vector<16xi32>
      %mul3A_86 = arith.muli %iota3A, %mul3A_85 : vector<16xi32>
      %add3A_87 = arith.constant 5 : i32
      %add3A_88 = vector.broadcast %add3A_87 : i32 to vector<16xi32>
      %add3A_89 = arith.addi %mul3A_86, %add3A_88 : vector<16xi32>
      tpu.vector_store_idx %arg8[%add3A_89, %add3A_30], %gather3A_83 : memref<16x512xf32, #tpu.memory_space<vmem>>[vector<16xi32>, vector<16xi32>], vector<16xf32>,
      %add3A_90 = arith.constant 6 : i32
      %add3A_91 = vector.broadcast %add3A_90 : i32 to vector<16xi32>
      %add3A_92 = arith.addi %mul3A_26, %add3A_91 : vector<16xi32>
      %gather3A_93 = tpu.vector_load_idx %arg7[%add3A_30, %add3A_92] : memref<512x128xf32, #tpu.memory_space<vmem>>[vector<16xi32>, vector<16xi32>], vector<16xf32>,
      %mul3A_94 = arith.constant 0 : i32
      %mul3A_95 = vector.broadcast %mul3A_94 : i32 to vector<16xi32>
      %mul3A_96 = arith.muli %iota3A, %mul3A_95 : vector<16xi32>
      %add3A_97 = arith.constant 6 : i32
      %add3A_98 = vector.broadcast %add3A_97 : i32 to vector<16xi32>
      %add3A_99 = arith.addi %mul3A_96, %add3A_98 : vector<16xi32>
      tpu.vector_store_idx %arg8[%add3A_99, %add3A_30], %gather3A_93 : memref<16x512xf32, #tpu.memory_space<vmem>>[vector<16xi32>, vector<16xi32>], vector<16xf32>,
      %add3A_100 = arith.constant 7 : i32
      %add3A_101 = vector.broadcast %add3A_100 : i32 to vector<16xi32>
      %add3A_102 = arith.addi %mul3A_26, %add3A_101 : vector<16xi32>
      %gather3A_103 = tpu.vector_load_idx %arg7[%add3A_30, %add3A_102] : memref<512x128xf32, #tpu.memory_space<vmem>>[vector<16xi32>, vector<16xi32>], vector<16xf32>,
      %mul3A_104 = arith.constant 0 : i32
      %mul3A_105 = vector.broadcast %mul3A_104 : i32 to vector<16xi32>
      %mul3A_106 = arith.muli %iota3A, %mul3A_105 : vector<16xi32>
      %add3A_107 = arith.constant 7 : i32
      %add3A_108 = vector.broadcast %add3A_107 : i32 to vector<16xi32>
      %add3A_109 = arith.addi %mul3A_106, %add3A_108 : vector<16xi32>
      tpu.vector_store_idx %arg8[%add3A_109, %add3A_30], %gather3A_103 : memref<16x512xf32, #tpu.memory_space<vmem>>[vector<16xi32>, vector<16xi32>], vector<16xf32>,
      %add3A_110 = arith.constant 8 : i32
      %add3A_111 = vector.broadcast %add3A_110 : i32 to vector<16xi32>
      %add3A_112 = arith.addi %mul3A_26, %add3A_111 : vector<16xi32>
      %gather3A_113 = tpu.vector_load_idx %arg7[%add3A_30, %add3A_112] : memref<512x128xf32, #tpu.memory_space<vmem>>[vector<16xi32>, vector<16xi32>], vector<16xf32>,
      %mul3A_114 = arith.constant 0 : i32
      %mul3A_115 = vector.broadcast %mul3A_114 : i32 to vector<16xi32>
      %mul3A_116 = arith.muli %iota3A, %mul3A_115 : vector<16xi32>
      %add3A_117 = arith.constant 8 : i32
      %add3A_118 = vector.broadcast %add3A_117 : i32 to vector<16xi32>
      %add3A_119 = arith.addi %mul3A_116, %add3A_118 : vector<16xi32>
      tpu.vector_store_idx %arg8[%add3A_119, %add3A_30], %gather3A_113 : memref<16x512xf32, #tpu.memory_space<vmem>>[vector<16xi32>, vector<16xi32>], vector<16xf32>,
      %add3A_120 = arith.constant 9 : i32
      %add3A_121 = vector.broadcast %add3A_120 : i32 to vector<16xi32>
      %add3A_122 = arith.addi %mul3A_26, %add3A_121 : vector<16xi32>
      %gather3A_123 = tpu.vector_load_idx %arg7[%add3A_30, %add3A_122] : memref<512x128xf32, #tpu.memory_space<vmem>>[vector<16xi32>, vector<16xi32>], vector<16xf32>,
      %mul3A_124 = arith.constant 0 : i32
      %mul3A_125 = vector.broadcast %mul3A_124 : i32 to vector<16xi32>
      %mul3A_126 = arith.muli %iota3A, %mul3A_125 : vector<16xi32>
      %add3A_127 = arith.constant 9 : i32
      %add3A_128 = vector.broadcast %add3A_127 : i32 to vector<16xi32>
      %add3A_129 = arith.addi %mul3A_126, %add3A_128 : vector<16xi32>
      tpu.vector_store_idx %arg8[%add3A_129, %add3A_30], %gather3A_123 : memref<16x512xf32, #tpu.memory_space<vmem>>[vector<16xi32>, vector<16xi32>], vector<16xf32>,
      %add3A_130 = arith.constant 10 : i32
      %add3A_131 = vector.broadcast %add3A_130 : i32 to vector<16xi32>
      %add3A_132 = arith.addi %mul3A_26, %add3A_131 : vector<16xi32>
      %gather3A_133 = tpu.vector_load_idx %arg7[%add3A_30, %add3A_132] : memref<512x128xf32, #tpu.memory_space<vmem>>[vector<16xi32>, vector<16xi32>], vector<16xf32>,
      %mul3A_134 = arith.constant 0 : i32
      %mul3A_135 = vector.broadcast %mul3A_134 : i32 to vector<16xi32>
      %mul3A_136 = arith.muli %iota3A, %mul3A_135 : vector<16xi32>
      %add3A_137 = arith.constant 10 : i32
      %add3A_138 = vector.broadcast %add3A_137 : i32 to vector<16xi32>
      %add3A_139 = arith.addi %mul3A_136, %add3A_138 : vector<16xi32>
      tpu.vector_store_idx %arg8[%add3A_139, %add3A_30], %gather3A_133 : memref<16x512xf32, #tpu.memory_space<vmem>>[vector<16xi32>, vector<16xi32>], vector<16xf32>,
      %add3A_140 = arith.constant 11 : i32
      %add3A_141 = vector.broadcast %add3A_140 : i32 to vector<16xi32>
      %add3A_142 = arith.addi %mul3A_26, %add3A_141 : vector<16xi32>
      %gather3A_143 = tpu.vector_load_idx %arg7[%add3A_30, %add3A_142] : memref<512x128xf32, #tpu.memory_space<vmem>>[vector<16xi32>, vector<16xi32>], vector<16xf32>,
      %mul3A_144 = arith.constant 0 : i32
      %mul3A_145 = vector.broadcast %mul3A_144 : i32 to vector<16xi32>
      %mul3A_146 = arith.muli %iota3A, %mul3A_145 : vector<16xi32>
      %add3A_147 = arith.constant 11 : i32
      %add3A_148 = vector.broadcast %add3A_147 : i32 to vector<16xi32>
      %add3A_149 = arith.addi %mul3A_146, %add3A_148 : vector<16xi32>
      tpu.vector_store_idx %arg8[%add3A_149, %add3A_30], %gather3A_143 : memref<16x512xf32, #tpu.memory_space<vmem>>[vector<16xi32>, vector<16xi32>], vector<16xf32>,
      %add3A_150 = arith.constant 12 : i32
      %add3A_151 = vector.broadcast %add3A_150 : i32 to vector<16xi32>
      %add3A_152 = arith.addi %mul3A_26, %add3A_151 : vector<16xi32>
      %gather3A_153 = tpu.vector_load_idx %arg7[%add3A_30, %add3A_152] : memref<512x128xf32, #tpu.memory_space<vmem>>[vector<16xi32>, vector<16xi32>], vector<16xf32>,
      %mul3A_154 = arith.constant 0 : i32
      %mul3A_155 = vector.broadcast %mul3A_154 : i32 to vector<16xi32>
      %mul3A_156 = arith.muli %iota3A, %mul3A_155 : vector<16xi32>
      %add3A_157 = arith.constant 12 : i32
      %add3A_158 = vector.broadcast %add3A_157 : i32 to vector<16xi32>
      %add3A_159 = arith.addi %mul3A_156, %add3A_158 : vector<16xi32>
      tpu.vector_store_idx %arg8[%add3A_159, %add3A_30], %gather3A_153 : memref<16x512xf32, #tpu.memory_space<vmem>>[vector<16xi32>, vector<16xi32>], vector<16xf32>,
      %add3A_160 = arith.constant 13 : i32
      %add3A_161 = vector.broadcast %add3A_160 : i32 to vector<16xi32>
      %add3A_162 = arith.addi %mul3A_26, %add3A_161 : vector<16xi32>
      %gather3A_163 = tpu.vector_load_idx %arg7[%add3A_30, %add3A_162] : memref<512x128xf32, #tpu.memory_space<vmem>>[vector<16xi32>, vector<16xi32>], vector<16xf32>,
      %mul3A_164 = arith.constant 0 : i32
      %mul3A_165 = vector.broadcast %mul3A_164 : i32 to vector<16xi32>
      %mul3A_166 = arith.muli %iota3A, %mul3A_165 : vector<16xi32>
      %add3A_167 = arith.constant 13 : i32
      %add3A_168 = vector.broadcast %add3A_167 : i32 to vector<16xi32>
      %add3A_169 = arith.addi %mul3A_166, %add3A_168 : vector<16xi32>
      tpu.vector_store_idx %arg8[%add3A_169, %add3A_30], %gather3A_163 : memref<16x512xf32, #tpu.memory_space<vmem>>[vector<16xi32>, vector<16xi32>], vector<16xf32>,
      %add3A_170 = arith.constant 14 : i32
      %add3A_171 = vector.broadcast %add3A_170 : i32 to vector<16xi32>
      %add3A_172 = arith.addi %mul3A_26, %add3A_171 : vector<16xi32>
      %gather3A_173 = tpu.vector_load_idx %arg7[%add3A_30, %add3A_172] : memref<512x128xf32, #tpu.memory_space<vmem>>[vector<16xi32>, vector<16xi32>], vector<16xf32>,
      %mul3A_174 = arith.constant 0 : i32
      %mul3A_175 = vector.broadcast %mul3A_174 : i32 to vector<16xi32>
      %mul3A_176 = arith.muli %iota3A, %mul3A_175 : vector<16xi32>
      %add3A_177 = arith.constant 14 : i32
      %add3A_178 = vector.broadcast %add3A_177 : i32 to vector<16xi32>
      %add3A_179 = arith.addi %mul3A_176, %add3A_178 : vector<16xi32>
      tpu.vector_store_idx %arg8[%add3A_179, %add3A_30], %gather3A_173 : memref<16x512xf32, #tpu.memory_space<vmem>>[vector<16xi32>, vector<16xi32>], vector<16xf32>,
      %add3A_180 = arith.constant 15 : i32
      %add3A_181 = vector.broadcast %add3A_180 : i32 to vector<16xi32>
      %add3A_182 = arith.addi %mul3A_26, %add3A_181 : vector<16xi32>
      %gather3A_183 = tpu.vector_load_idx %arg7[%add3A_30, %add3A_182] : memref<512x128xf32, #tpu.memory_space<vmem>>[vector<16xi32>, vector<16xi32>], vector<16xf32>,
      %mul3A_184 = arith.constant 0 : i32
      %mul3A_185 = vector.broadcast %mul3A_184 : i32 to vector<16xi32>
      %mul3A_186 = arith.muli %iota3A, %mul3A_185 : vector<16xi32>
      %add3A_187 = arith.constant 15 : i32
      %add3A_188 = vector.broadcast %add3A_187 : i32 to vector<16xi32>
      %add3A_189 = arith.addi %mul3A_186, %add3A_188 : vector<16xi32>
      tpu.vector_store_idx %arg8[%add3A_189, %add3A_30], %gather3A_183 : memref<16x512xf32, #tpu.memory_space<vmem>>[vector<16xi32>, vector<16xi32>], vector<16xf32>,
    }
    %scan3A_15 = arith.constant 32 : i32
    "tpu.region"() ({
      %run_scoped3A = tpu.sem_alloc : memref<!tpu.dma_semaphore, #tpu.memory_space<semaphore_mem>>
      %dma_start3A_16 = arith.constant 0 : i32
      %dma_start3A_17 = tpu.memref_slice %arg4[%dma_start3A_16, %mul3A_2] : memref<16x16384xf32, #tpu.memory_space<hbm>> -> memref<16x512xf32, #tpu.memory_space<hbm>>
      %dma_start3A_18 = arith.constant 0 : i32
      %dma_start3A_19 = tpu.memref_slice %arg4[%dma_start3A_18, %mul3A_2] : memref<16x16384xf32, #tpu.memory_space<hbm>> -> memref<16x512xf32, #tpu.memory_space<hbm>>
      tpu.enqueue_dma source(%arg8 : memref<16x512xf32, #tpu.memory_space<vmem>>) target(%dma_start3A_19 : memref<16x512xf32, #tpu.memory_space<hbm>>) target_semaphore(%run_scoped3A : memref<!tpu.dma_semaphore, #tpu.memory_space<semaphore_mem>>)
      %dma_wait3A_20 = arith.constant 0 : i32
      %dma_wait3A_21 = tpu.memref_slice %arg4[%dma_wait3A_20, %mul3A_2] : memref<16x16384xf32, #tpu.memory_space<hbm>> -> memref<16x512xf32, #tpu.memory_space<hbm>>
      %dma_wait3A_22 = arith.constant 0 : i32
      %dma_wait3A_23 = tpu.memref_slice %arg4[%dma_wait3A_22, %mul3A_2] : memref<16x16384xf32, #tpu.memory_space<hbm>> -> memref<16x512xf32, #tpu.memory_space<hbm>>
      tpu.wait_dma2 semaphore(%run_scoped3A : memref<!tpu.dma_semaphore, #tpu.memory_space<semaphore_mem>>) src(%arg8 : memref<16x512xf32, #tpu.memory_space<vmem>>) dst(%dma_wait3A_23 : memref<16x512xf32, #tpu.memory_space<hbm>>)
      tpu.yield
    }) : () -> ()
    return
  }
}

module attributes {stable_mosaic.version = 14 : i64} {
  func.func @_proj_body(%arg0: i32, %arg1: memref<64x32768xf32, #tpu.memory_space<vmem>>, %arg2: memref<16x64xf32, #tpu.memory_space<vmem>>, %arg3: memref<1x128xf32, #tpu.memory_space<vmem>>, %arg4: memref<4096x128xf32, #tpu.memory_space<vmem>>) attributes {dimension_semantics = [#tpu.dimension_semantics<parallel>], iteration_bounds = array<i64: 31>, scalar_prefetch = 0 : i64, scratch_operands = 0 : i64, tpu.core_type = #tpu.core_type<tc>, window_params = [{transform_indices = @transform_0, window_bounds = array<i64: 64, 32768>}, {pipeline_mode = #tpu.pipeline_mode<synchronous>, transform_indices = @transform_1, window_bounds = array<i64: 16, 64>}, {pipeline_mode = #tpu.pipeline_mode<synchronous>, transform_indices = @transform_2, window_bounds = array<i64: 1, 128>}, {transform_indices = @transform_3, window_bounds = array<i64: 4096, 128>}]} {
    %get3A = arith.constant 0 : index
    %get3A_0 = arith.constant 0 : index
    %get3A_1 = vector.load %arg2[%get3A, %get3A_0] : memref<16x64xf32, #tpu.memory_space<vmem>>, vector<16x64xf32>
    %get3A_2 = arith.constant 0 : index
    %get3A_3 = arith.constant 0 : index
    %get3A_4 = vector.load %arg1[%get3A_2, %get3A_3] : memref<64x32768xf32, #tpu.memory_space<vmem>>, vector<64x32768xf32>
    %dot_general3A = arith.constant dense<0.000000e+00> : vector<16x32768xf32>
    %dot_general3A_5 = tpu.matmul %get3A_1, %get3A_4, %dot_general3A {dimension_numbers = #tpu.dot_dimension_numbers<[1], [0], [0], [1], [0, 0, 1, 1], [], []>, transpose_lhs_hint = false} : vector<16x64xf32>, vector<64x32768xf32>, vector<16x32768xf32> -> vector<16x32768xf32>
    %convert_element_type3A = arith.truncf %dot_general3A_5 : vector<16x32768xf32> to vector<16x32768xbf16>
    %slice3A = vector.extract_strided_slice %convert_element_type3A {offsets = [0, 0], sizes = [16, 4096], strides = [1, 1]} : vector<16x32768xbf16> to vector<16x4096xbf16>
    %slice3A_6 = vector.extract_strided_slice %convert_element_type3A {offsets = [0, 4096], sizes = [16, 4096], strides = [1, 1]} : vector<16x32768xbf16> to vector<16x4096xbf16>
    %slice3A_7 = vector.extract_strided_slice %convert_element_type3A {offsets = [0, 8192], sizes = [16, 4096], strides = [1, 1]} : vector<16x32768xbf16> to vector<16x4096xbf16>
    %slice3A_8 = vector.extract_strided_slice %convert_element_type3A {offsets = [0, 12288], sizes = [16, 4096], strides = [1, 1]} : vector<16x32768xbf16> to vector<16x4096xbf16>
    %slice3A_9 = vector.extract_strided_slice %convert_element_type3A {offsets = [0, 16384], sizes = [16, 4096], strides = [1, 1]} : vector<16x32768xbf16> to vector<16x4096xbf16>
    %slice3A_10 = vector.extract_strided_slice %convert_element_type3A {offsets = [0, 20480], sizes = [16, 4096], strides = [1, 1]} : vector<16x32768xbf16> to vector<16x4096xbf16>
    %slice3A_11 = vector.extract_strided_slice %convert_element_type3A {offsets = [0, 24576], sizes = [16, 4096], strides = [1, 1]} : vector<16x32768xbf16> to vector<16x4096xbf16>
    %slice3A_12 = vector.extract_strided_slice %convert_element_type3A {offsets = [0, 28672], sizes = [16, 4096], strides = [1, 1]} : vector<16x32768xbf16> to vector<16x4096xbf16>
    %concatenate3A = tpu.concatenate %slice3A, %slice3A_6, %slice3A_7, %slice3A_8, %slice3A_9, %slice3A_10, %slice3A_11, %slice3A_12 in 0 : vector<16x4096xbf16>, vector<16x4096xbf16>, vector<16x4096xbf16>, vector<16x4096xbf16>, vector<16x4096xbf16>, vector<16x4096xbf16>, vector<16x4096xbf16>, vector<16x4096xbf16> -> vector<128x4096xbf16>
    %iota3A = tpu.iota {dimensions = array<i32: 0>} : vector<128x128xi32>
    %iota3A_13 = tpu.iota {dimensions = array<i32: 1>} : vector<128x128xi32>
    %eq3A = arith.cmpi eq, %iota3A, %iota3A_13 : vector<128x128xi32>
    %convert_element_type3A_14 = arith.extui %eq3A : vector<128x128xi1> to vector<128x128xi32>
    %convert_element_type3A_15 = arith.sitofp %convert_element_type3A_14 : vector<128x128xi32> to vector<128x128xf32>
    %convert_element_type3A_16 = arith.truncf %convert_element_type3A_15 : vector<128x128xf32> to vector<128x128xbf16>
    %get3A_17 = arith.constant 0 : index
    %get3A_18 = arith.constant 0 : index
    %get3A_19 = vector.load %arg3[%get3A_17, %get3A_18] : memref<1x128xf32, #tpu.memory_space<vmem>>, vector<1x128xf32>
    %dot_general3A_20 = arith.constant dense<0.000000e+00> : vector<4096x128xf32>
    %dot_general3A_21 = tpu.matmul %concatenate3A, %convert_element_type3A_16, %dot_general3A_20 {dimension_numbers = #tpu.dot_dimension_numbers<[0], [0], [1], [1], [0, 1, 1, 1], [], []>, transpose_lhs_hint = true} : vector<128x4096xbf16>, vector<128x128xbf16>, vector<4096x128xf32> -> vector<4096x128xf32>
    %add3A = vector.broadcast %get3A_19 : vector<1x128xf32> to vector<4096x128xf32>
    %add3A_22 = arith.addf %add3A, %dot_general3A_21 : vector<4096x128xf32>
    %swap3A = arith.constant 0 : index
    %swap3A_23 = arith.constant 0 : index
    %swap3A_24 = vector.load %arg4[%swap3A, %swap3A_23] : memref<4096x128xf32, #tpu.memory_space<vmem>>, vector<4096x128xf32>
    tpu.vector_store %arg4[%swap3A, %swap3A_23], %add3A_22 {strides = array<i32>} : memref<4096x128xf32, #tpu.memory_space<vmem>>, vector<4096x128xf32>,
    return
  }
  func.func @transform_0(%arg0: i32) -> (i32, i32) {
    %c0_i32 = arith.constant 0 : i32
    %c0_i32_0 = arith.constant 0 : i32
    return %c0_i32, %arg0 : i32, i32
  }
  func.func @transform_1(%arg0: i32) -> (i32, i32) {
    %c0_i32 = arith.constant 0 : i32
    %c0_i32_0 = arith.constant 0 : i32
    %c0_i32_1 = arith.constant 0 : i32
    return %c0_i32, %c0_i32_0 : i32, i32
  }
  func.func @transform_2(%arg0: i32) -> (i32, i32) {
    %c0_i32 = arith.constant 0 : i32
    %c0_i32_0 = arith.constant 0 : i32
    %c0_i32_1 = arith.constant 0 : i32
    return %c0_i32, %c0_i32_0 : i32, i32
  }
  func.func @transform_3(%arg0: i32) -> (i32, i32) {
    %c0_i32 = arith.constant 0 : i32
    %c0_i32_0 = arith.constant 0 : i32
    return %arg0, %c0_i32 : i32, i32
  }
}

</mosaic_0001>

<sc_bundles>
// kernel: kernel.4.cloned.1.call-start
scs
__scs_entry_jumppad:
0x0: {  	(pc) =	sbr.rel $0x88, $3  }
0x1: {  	(tag) =	ssettag $0x0;
	lr =	simm.s32 $0x1  }
0x2: {  	[smem:$0x3F9D] =	sst lr;
	_ =	strace $0xD0000000  }
0x3: {  	_ = 	snop  }
0x4: {  	_ = 	snop  }
0x5: {  	_ = 	snop  }
0x6: {  	_ = 	snop  }
0x7: {  	_ = 	snop  }
__scs_overlays_trampoline_lowered:
0x8: {  	[smem:$0x3FAC] =	sst s0  }
0x9: {  	[smem:$0x3FAD] =	sst s1  }
0xa: {  	[smem:$0x3FAE] =	sst s2  }
0xb: {  	[smem:$0x3FAF] =	sst s3  }
0xc: {  	[smem:$0x3FB0] =	sst s4  }
0xd: {  	[smem:$0x3FB1] =	sst s5  }
0xe: {  	[smem:$0x3FB2] =	sst s6  }
0xf: {  	[smem:$0x3FB3] =	sst s7  }
0x10: {  	[smem:$0x3FB4] =	sst s8  }
0x11: {  	[smem:$0x3FB5] =	sst s9;
	s0 =	simm.s32 @!p0 $0x0  }
0x12: {  	s1 =	sld [smem:$0x3F9B];
	s0 =	simm.s32 @p0 $0x1  }
0x13: {  	[smem:$0x3FB6] =	sst s0;
	s0 =	simm.s32 @!p1 $0x0  }
0x14: {  	s2 =	sld [smem:$0x3F9A];
	s0 =	simm.s32 @p1 $0x1  }
0x15: {  	[smem:$0x3FB7] =	sst s0;
	s0 =	simm.s32 @!p2 $0x0  }
0x16: {  	s3 =	sld [smem:$0x3FDB];
	s0 =	simm.s32 @p2 $0x1  }
0x17: {  	s4 =	simm.s32 $0x1BF5;
	[smem:$0x3FB9] =	sst s0  }
0x18: {  	s0 =	sld [smem:$0x3F9C];
	_ =	swait.ge [sflag:s4], $0x0  }
0x19: {  	s7 =	sld [smem:$0x3F9D]  }
0x1a: {  	s8 =	sadd.s32 $0xFFFFE003, lr  }
0x1b: {  	s9 =	sadd.s32 $0xFFFFFEF7, lr;
	s5 =	simm.s32 $0xFFFFFFFF;
	p2 =	slt.u32 s8, $0xFFFFF086  }
0x1c: {  	p1 =	slt.u32 s9, $0xF7A;
	s5 =	simm.s32 @!p2 $0x0  }
0x1d: {  	s5 =	simm.s32 @p1 $0x1;
	p0 =	seq.s32 s7, s2  }
0x1e: {  	s7 =	smul.u32 @!p0 $0xF7A, s2;
	p2 =	seq.s32 @!p0 s5, $0x0  }
0x1f: {  	s9 =	smul.u32 $0xF7A, s1;
	s8 =	simm.s32 @!p0 $0x1BF5;
	p2 =	por !p2, p0  }
0x20: {  	[sflag:s8] =	ssyncset.s32 @!p0 $0xFFFFF086;
	s6 =	sadd.s32 @!p0 s3, s7;
	s7 =	simm.s32 @!p0 $0x108  }
0x21: {  	s3 =	sadd.s32 s3, s9;
	s6 =	sadd.s32 @!p0 $0x88, s6;
	s7 =	simm.s32 @p2 $0x1082  }
0x22: {  	[simem:s7], [sflag:s8] =	dma.local @!p0 [hbm:s6], $0xF7A  }
0x23: {  	s9 =	sor.u32 $0xD0000000, s2;
	s6 =	simm.s32 $0x108;
	_ =	swait.ge @!p0 [sflag:s8], $0x0  }
0x24: {  	s3 =	sadd.s32 $0x88, s3;
	s6 =	simm.s32 @!p1 $0x1082;
	[sflag:s4] =	ssyncset.s32 $0xFFFFF086  }
0x25: {  	[simem:s6], [sflag:s4] =	dma.local [hbm:s3], $0xF7A  }
0x26: {  	[smem:$0x3F9D] =	sst s1;
	(tag) =	ssettag s2;
	_ =	strace s9  }
0x27: {  	s1 =	sld [smem:$0x3FAD]  }
0x28: {  	s2 =	sld [smem:$0x3FAE]  }
0x29: {  	s4 =	sld [smem:$0x3FB0]  }
0x2a: {  	p0 =	seq.s32 s5, $0x0;
	s5 =	sld [smem:$0x3FB1]  }
0x2b: {  	s6 =	sld [smem:$0x3FB2]  }
0x2c: {  	s7 =	sld [smem:$0x3FB3]  }
0x2d: {  	s3 =	simm.s32 $0x108;
	s8 =	sld [smem:$0x3FB4]  }
0x2e: {  	s3 =	simm.s32 @!p0 $0x1082;
	s9 =	sld [smem:$0x3FB5]  }
0x2f: {  	lr =	sadd.s32 s0, s3;
	s0 =	sld [smem:$0x3FAC]  }
0x30: {  	s3 =	sld [smem:$0x3FAF]  }
0x31: {  	[smem:$0x3FB8] =	sst s10  }
0x32: {  	s10 =	sld [smem:$0x3FB6];
	_ =	sdelay $0x3  }
0x33: {  	p0 =	seq.s32 s10, $0x1;
	s10 =	sld [smem:$0x3FB8];
	_ =	sdelay $0x3  }
0x34: {  	[smem:$0x3FB8] =	sst s10  }
0x35: {  	s10 =	sld [smem:$0x3FB7];
	_ =	sdelay $0x3  }
0x36: {  	p1 =	seq.s32 s10, $0x1;
	s10 =	sld [smem:$0x3FB8];
	_ =	sdelay $0x3  }
0x37: {  	[smem:$0x3FB8] =	sst s10  }
0x38: {  	s10 =	sld [smem:$0x3FB9]  }
0x39: {  	_ = 	snop;
	(pc) =	sbr.ind lr, $3  }
0x3a: {  	_ = 	snop  }
0x3b: {  	_ = 	snop  }
0x3c: {  	p2 =	seq.s32 s10, $0x1;
	s10 =	sld [smem:$0x3FB8]  }
0x3d: {  	_ =	shalt  }
0x3e: {  	_ =	shalt  }
0x3f: {  	_ =	shalt  }
0x40: {  	_ =	shalt  }
0x41: {  	_ =	shalt  }
0x42: {  	_ =	shalt  }
0x43: {  	_ =	shalt  }
0x44: {  	_ =	shalt  }
0x45: {  	_ =	shalt  }
0x46: {  	_ =	shalt  }
0x47: {  	_ =	shalt  }
0x48: {  	_ =	shalt  }
0x49: {  	_ =	shalt  }
0x4a: {  	_ =	shalt  }
0x4b: {  	_ =	shalt  }
0x4c: {  	_ =	shalt  }
0x4d: {  	_ =	shalt  }
0x4e: {  	_ =	shalt  }
0x4f: {  	_ =	shalt  }
0x50: {  	_ =	shalt  }
0x51: {  	_ =	shalt  }
0x52: {  	_ =	shalt  }
0x53: {  	_ =	shalt  }
0x54: {  	_ =	shalt  }
0x55: {  	_ =	shalt  }
0x56: {  	_ =	shalt  }
0x57: {  	_ =	shalt  }
0x58: {  	_ =	shalt  }
0x59: {  	_ =	shalt  }
0x5a: {  	_ =	shalt  }
0x5b: {  	_ =	shalt  }
0x5c: {  	_ =	shalt  }
0x5d: {  	_ =	shalt  }
0x5e: {  	_ =	shalt  }
0x5f: {  	_ =	shalt  }
0x60: {  	_ =	shalt  }
0x61: {  	_ =	shalt  }
0x62: {  	_ =	shalt  }
0x63: {  	_ =	shalt  }
0x64: {  	_ =	shalt  }
0x65: {  	_ =	shalt  }
0x66: {  	_ =	shalt  }
0x67: {  	_ =	shalt  }
0x68: {  	_ =	shalt  }
0x69: {  	_ =	shalt  }
0x6a: {  	_ =	shalt  }
0x6b: {  	_ =	shalt  }
0x6c: {  	_ =	shalt  }
0x6d: {  	_ =	shalt  }
0x6e: {  	_ =	shalt  }
0x6f: {  	_ =	shalt  }
0x70: {  	_ =	shalt  }
0x71: {  	_ =	shalt  }
0x72: {  	_ =	shalt  }
0x73: {  	_ =	shalt  }
0x74: {  	_ =	shalt  }
0x75: {  	_ =	shalt  }
0x76: {  	_ =	shalt  }
0x77: {  	_ =	shalt  }
0x78: {  	_ =	shalt  }
0x79: {  	_ =	shalt  }
0x7a: {  	_ =	shalt  }
0x7b: {  	_ =	shalt  }
0x7c: {  	_ =	shalt  }
0x7d: {  	_ =	shalt  }
0x7e: {  	_ =	shalt  }
0x7f: {  	_ =	shalt  }
0x80: {  	_ =	shalt  }
0x81: {  	_ =	shalt  }
0x82: {  	_ =	shalt  }
0x83: {  	_ =	shalt  }
0x84: {  	_ =	shalt  }
0x85: {  	_ =	shalt  }
0x86: {  	_ =	shalt  }
0x87: {  	_ =	shalt  }
.Lfunc_end0:
.L_simem_size_0:
called_computation_lowered:
.L_overlay_start_0:
0x88: {  	s2 =	sld [smem:$0x3FD9]  }
0x89: {  	s3 =	sld [smem:$0x3FFE];
	_ =	sdelay $0x1  }
0x8a: {  	s1 =	srdreg.scid  }
0x8b: {  	s0 =	sand.u32 $0x1, s1  }
0x8c: {  	s17 =	sshll.u32 s0, $0xA;
	s2 =	sadd.s32 s3, s2  }
0x8d: {  	s2 =	sadd.s32 s2, s17  }
0x8e: {  	[smem:$0x3FC4] =	sst s2  }
0x8f: {  	_ = 	snop  }
0x90: {  	s2 =	sld [smem:$0x3FC9]  }
0x91: {  	s18 =	sld [smem:$0x3FD0];
	(tm) =	ssettm $0x1  }
0x92: {  	s4 =	sld [smem:$0x3FFB];
	_ =	sdelay $0x3  }
0x93: {  	_ =	strace s4  }
0x94: {  	s4 =	sld [smem:$0x3FFC];
	_ =	sdelay $0x3  }
0x95: {  	_ =	strace s4  }
0x96: {  	s4 =	sld [smem:$0x3FFD];
	_ =	sdelay $0x3  }
0x97: {  	_ =	strace s4  }
0x98: {  	_ =	strace $0x8FFFFFFF  }
0x99: {  	s19 =	sld [smem:$0x3FDB];
	_ =	sdelay $0x1  }
0x9a: {  	s5 =	simm.s32 $_scs_section_size  }
0x9b: {  	s6 =	simm.s32 $_size__tile_overlayer_lowered;
	s7 =	simm.s32 $_tile_overlayer_lowered  }
0x9c: {  	s22 =	simm.s32 $0x1BFF;
	s21 =	sshll.u32 s7, $0x1;
	s4 =	sadd.s32 s5, s19  }
0x9d: {  	s8 =	simm.s32 $0x0;
	s20 =	sshll.u32 s6, $0x1;
	s6 =	sadd.s32 s21, s4  }
0x9e: {  	[timem:s8], [sflag:s22] =	dma.local [hbm:s6], s20  }
0x9f: {  	_ =	swait.ge [sflag:s22], s20  }
0xa0: {  	s5 =	ssub.s32 $0x0, s20;
	[sflag:s22] =	ssyncset.done $0x0  }
0xa1: {  	[sflag:s22] =	ssyncadd.s32 s5;
	_ =	sdelay $0x1  }
0xa2: {  	s23 =	simm.s32 $0x1B8B  }
0xa3: {  	_ =	swait.ge [sflag:s23], $0x1  }
0xa4: {  	[sflag:s23] =	ssyncset.done $0x0  }
0xa5: {  	s25 =	simm.s32 $0x1B8E;
	s24 =	sld [smem:$0x3FFE];
	[sflag:s23] =	ssyncadd.s32 $0xFFFFFFFF  }
0xa6: {  	s26 =	simm.s32 $execute0_lowered;
	[smem:$0x3FD2] =	sst s25  }
0xa7: {  	s6 =	sshll.u32 s26, $0x1;
	_ =	strace $0x80000046;
	[dreg:$0x1] =	wrdreg $0xFFFFFFFF  }
0xa8: {  	s28 =	simm.s32 $_size_execute0_lowered;
	s4 =	sadd.s32 s4, s6;
	[dreg:$0x0] =	wrdreg $0x0  }
0xa9: {  	s6 =	sshll.u32 s28, $0x1;
	[dreg:$0x2] =	wrdreg s4  }
0xaa: {  	[dreg:$0x3] =	wrdreg s6  }
0xab: {  	[dreg:$0x4] =	wrdreg $0xC0  }
0xac: {  	_ =	task [dreg:s8], $0x5FFFF  }
0xad: {  	[dreg:$0x1] =	wrdreg $0xFFFFFFFF  }
0xae: {  	[dreg:$0x0] =	wrdreg $0x60  }
0xaf: {  	[dreg:$0x2] =	wrdreg s24  }
0xb0: {  	[dreg:$0x3] =	wrdreg s2  }
0xb1: {  	[dreg:$0x4] =	wrdreg s18  }
0xb2: {  	[dreg:$0x5] =	wrdreg $0x9  }
0xb3: {  	_ =	task.clear_ibuf [dreg:s8], $0x6FFFF;
	_ =	strace $0x90000046  }
0xb4: {  	s29 =	simm.s32 $0x9;
	_ =	strace $0x80000048  }
0xb5: {  	_ =	swait.ge [sflag:s29], $0x1  }
0xb6: {  	[sflag:s29] =	ssyncadd.s32 $0xFFFFFFFF  }
0xb7: {  	_ =	strace $0x90000048  }
0xb8: {  	_ =	sfence  }
0xb9: {  	s30 =	sld [smem:$0x0];
	_ =	sdelay $0x2  }
0xba: {  	s31 =	sshll.u32 s1, $0xD;
	s1 =	sshrl.u32 s1, $0x2  }
0xbb: {  	s3 =	sand.u32 $0x4000, s31;
	s1 =	sadd.s32 s1, s30  }
0xbc: {  	s0 =	sor.u32 s3, s0;
	s1 =	sshll.u32 s1, $0x11  }
0xbd: {  	s0 =	sor.u32 s1, s0  }
0xbe: {  	s0 =	sadd.s32 $0x8F2B, s0  }
0xbf: {  	[sflag:s0] =	ssyncadd.remote.s32 $0x1  }
0xc0: {  	_ =	sfence.sel $0xFFFF  }
0xc1: {  	[dreg:$0x0] =	wrdreg $0xFFFFFFFF;
	(pc) =	sbr.abs _section_cstart, $3  }
0xc2: {  	[dreg:$0x1] =	wrdreg $0xFFFFFFFF  }
0xc3: {  	_ =	task.clear_ibuf [dreg:s8], $0x2FFFF;
	_ =	strace $0x9FFFFFFF  }
0xc4: {  	(tm) =	ssettm $0x7FFFFFFF  }
0xc5: {  	_ =	shalt  }
tec
execute0_lowered:
.L_overlay_start_1:
0x0: {  	(tag) =	ssettag $0x1  }
0x1: {  	s3 =	rddreg [dreg:$0x0]  }
0x2: {  	s4 =	rddreg [dreg:$0x1]  }
0x3: {  	s5 =	rddreg [dreg:$0x2]  }
0x4: {  	s0 =	rddreg [dreg:$0x3];
	s6 =	srdreg.scid  }
0x5: {  	s2 =	simm.s32 $0x0;
	s1 =	stileid.u32;
	s10 =	simm.s32 $0x1  }
0x6: {  	s11 =	simm.s32 $0x10400;
	s12 =	simm.s32 $0x1000;
	s13 =	simm.s32 $0x20000  }
0x7: {  	s14 =	simm.s32 $0x0;
	s6 =	sand.u32 $0x1, s6;
	[smem:$0x7FF] =	sst s2  }
0x8: {  	s7 =	sshll.u32 s1, $0xA;
	s3 =	sadd.s32 $0x600, s3;
	s8 =	sshll.u32 s6, $0x9  }
0x9: {  	_ =	strace $0x80000047;
	s6 =	ssub.s32 $0x2, s6;
	s7 =	sor.u32 s8, s7  }
0xa: {  	s31 =	sshrl.u32 s6, $0x1;
	s8 =	simm.s32 $0x200;
	s9 =	sshrl.u32 s7, $0x3  }
0xb: {  	s6 =	ssub.s32 s6, s31;
	s5 =	sadd.s32 s5, s7;
	s7 =	simm.s32 $0x2  }
0xc: {  	v0 =	vlaneseq.u32;
	s4 =	sadd.s32 s4, s9;
	s6 =	smax.u32 s6, $0x1;
	s9 =	simm.s32 $0x400  }
.LBB2_1:
0xd: {  	[tilespmem:s2], [sflag:$0x2] =	stream.linear.gather [hbm4b:s4+s2], $0x200, $0x38;
	[tilespmem:$0x12400] =	vst v63  }
0xe: {  	_ =	swait.ge [sflag:s7], $0x200  }
0xf: {  	[sflag:s7] =	ssyncset.done $0x0  }
0x10: {  	s15 =	simm.s32 $0x0;
	[sflag:s7] =	ssyncadd.s32 $0xFFFFFE00  }
0x11: {  	s16 =	simm.s32 $0x40;
	v1 =	vld [tilespmem:s15+$0x0]  }
.LBB2_2:
0x12: {  	_ =	sdelay $0x1  }
0x13: {  	p0 =	sne.s32 s16, $0x7C0  }
.Ltmp0:
0x14: {  	_ = 	snop;
	(pc) =	sbr.rel @p0 .LBB2_2-.Ltmp0, $4  }
0x15: {  	v2 =	vshra.s32 v1, $0x3  }
0x16: {  	v3 =	vand.u32 $0xFFF, v1;
	v2 =	vand.u32 $0xFFFFF000, v2  }
0x17: {  	s17 =	sshra.s32 s16, $0x2;
	v2 =	vor.u32 v3, v2  }
0x18: {  	s16 =	sadd.s32 $0x40, s16;
	v1 =	vld [tilespmem:s17+$0x0];
	[tilespmem:s15+$0x200] =	vst v2;
	s15 =	smov.u32 s17  }
0x19: {  	_ =	sdelay $0x3  }
0x1a: {  	v2 =	vshra.s32 v1, $0x3  }
0x1b: {  	v1 =	vand.u32 $0xFFF, v1;
	v2 =	vand.u32 $0xFFFFF000, v2  }
0x1c: {  	v1 =	vor.u32 v1, v2  }
0x1d: {  	[tilespmem:s15+$0x200] =	vst v1  }
0x1e: {  	[tilespmem:s9], [sflag:$0x1] =	stream.indirect.gather [hbm4b:s3+s8], $0x80, s8, s8, $0xb8;
	[tilespmem:$0x12400] =	vst v63  }
0x1f: {  	_ =	swait.ge [sflag:s10], $0x10000  }
0x20: {  	[sflag:s10] =	ssyncset.done $0x0  }
0x21: {  	s15 =	simm.s32 $0x0;
	[sflag:s10] =	ssyncadd.s32 $0xFFFF0000  }
0x22: {  	v1 =	vld [tilespmem:s15+$0x0];
	_ =	sdelay $0x4  }
0x23: {  	v2 =	vor.u32 s15, v0;
	v1 =	vshrl.u32 v1, $0x8  }
0x24: {  	v3 =	vshll.u32 v2, $0x7;
	v1 =	vand.u32 $0x70, v1  }
0x25: {  	v1 =	vor.u32 v3, v1;
	_ =	sdelay $0x1  }
0x26: {  	v3 =	vmov s15  }
0x27: {  	v3 =	vshll.u32 v3, $0x3  }
0x28: {  	v2 =	vand.u32 $0x7F, v2;
	v4 =	vand.u32 $0xC00, v3  }
0x29: {  	v4 =	vor.u32 v2, v4;
	v5 =	vld.idx.msk [tilespmem:v1+s9+$0x0], $0xffff  }
0x2a: {  	v6 =	vor.u32 $0x1, v1;
	_ =	sdelay $0x3  }
0x2b: {  	[tilespmem:v4+s11+$0x0] =	vst.idx.msk $0xffff, v5  }
0x2c: {  	v39 =	vor.u32 $0x80, v4;
	v5 =	vld.idx.msk [tilespmem:v6+s9+$0x0], $0xffff  }
0x2d: {  	v7 =	vor.u32 $0x2, v1;
	_ =	sdelay $0x3  }
0x2e: {  	[tilespmem:v39+s11+$0x0] =	vst.idx.msk $0xffff, v5  }
0x2f: {  	v40 =	vor.u32 $0x100, v4;
	v5 =	vld.idx.msk [tilespmem:v7+s9+$0x0], $0xffff  }
0x30: {  	v41 =	vor.u32 $0x3, v1;
	_ =	sdelay $0x3  }
0x31: {  	[tilespmem:v40+s11+$0x0] =	vst.idx.msk $0xffff, v5  }
0x32: {  	v42 =	vor.u32 $0x180, v4;
	v5 =	vld.idx.msk [tilespmem:v41+s9+$0x0], $0xffff  }
0x33: {  	v43 =	vor.u32 $0x4, v1;
	_ =	sdelay $0x3  }
0x34: {  	[tilespmem:v42+s11+$0x0] =	vst.idx.msk $0xffff, v5  }
0x35: {  	v44 =	vor.u32 $0x200, v4;
	v5 =	vld.idx.msk [tilespmem:v43+s9+$0x0], $0xffff  }
0x36: {  	v45 =	vor.u32 $0x5, v1;
	_ =	sdelay $0x3  }
0x37: {  	[tilespmem:v44+s11+$0x0] =	vst.idx.msk $0xffff, v5  }
0x38: {  	v46 =	vor.u32 $0x280, v4;
	v5 =	vld.idx.msk [tilespmem:v45+s9+$0x0], $0xffff  }
0x39: {  	v47 =	vor.u32 $0x6, v1;
	_ =	sdelay $0x3  }
0x3a: {  	[tilespmem:v46+s11+$0x0] =	vst.idx.msk $0xffff, v5  }
0x3b: {  	v48 =	vor.u32 $0x300, v4;
	v5 =	vld.idx.msk [tilespmem:v47+s9+$0x0], $0xffff  }
0x3c: {  	v49 =	vor.u32 $0x7, v1;
	_ =	sdelay $0x3  }
0x3d: {  	v2 =	vor.u32 v3, v2;
	[tilespmem:v48+s11+$0x0] =	vst.idx.msk $0xffff, v5  }
0x3e: {  	v50 =	vor.u32 $0x380, v2;
	v3 =	vld.idx.msk [tilespmem:v49+s9+$0x0], $0xffff  }
0x3f: {  	v51 =	vor.u32 $0x8, v1;
	_ =	sdelay $0x3  }
0x40: {  	[tilespmem:v50+s11+$0x0] =	vst.idx.msk $0xffff, v3  }
0x41: {  	v52 =	vor.u32 $0x1000, v4;
	v3 =	vld.idx.msk [tilespmem:v51+s9+$0x0], $0xffff  }
0x42: {  	v53 =	vor.u32 $0x9, v1;
	_ =	sdelay $0x3  }
0x43: {  	[tilespmem:v52+s11+$0x0] =	vst.idx.msk $0xffff, v3  }
0x44: {  	v54 =	vor.u32 $0x1080, v4;
	v3 =	vld.idx.msk [tilespmem:v53+s9+$0x0], $0xffff  }
0x45: {  	v55 =	vor.u32 $0xA, v1;
	_ =	sdelay $0x3  }
0x46: {  	[tilespmem:v54+s11+$0x0] =	vst.idx.msk $0xffff, v3  }
0x47: {  	v56 =	vor.u32 $0x1100, v4;
	v3 =	vld.idx.msk [tilespmem:v55+s9+$0x0], $0xffff  }
0x48: {  	v57 =	vor.u32 $0xB, v1;
	_ =	sdelay $0x3  }
0x49: {  	[tilespmem:v56+s11+$0x0] =	vst.idx.msk $0xffff, v3  }
0x4a: {  	v58 =	vor.u32 $0x1180, v4;
	v3 =	vld.idx.msk [tilespmem:v57+s9+$0x0], $0xffff  }
0x4b: {  	v59 =	vor.u32 $0xC, v1;
	_ =	sdelay $0x3  }
0x4c: {  	[tilespmem:v58+s11+$0x0] =	vst.idx.msk $0xffff, v3  }
0x4d: {  	v60 =	vor.u32 $0x1200, v4;
	v3 =	vld.idx.msk [tilespmem:v59+s9+$0x0], $0xffff  }
0x4e: {  	v61 =	vor.u32 $0xD, v1;
	_ =	sdelay $0x3  }
0x4f: {  	[tilespmem:v60+s11+$0x0] =	vst.idx.msk $0xffff, v3  }
0x50: {  	v62 =	vor.u32 $0x1280, v4;
	v3 =	vld.idx.msk [tilespmem:v61+s9+$0x0], $0xffff  }
0x51: {  	v63 =	vor.u32 $0xE, v1;
	_ =	sdelay $0x3  }
0x52: {  	[tilespmem:v62+s11+$0x0] =	vst.idx.msk $0xffff, v3  }
0x53: {  	v4 =	vor.u32 $0x1300, v4;
	v3 =	vld.idx.msk [tilespmem:v63+s9+$0x0], $0xffff  }
0x54: {  	v1 =	vor.u32 $0xF, v1;
	_ =	sdelay $0x3  }
0x55: {  	[tilespmem:v4+s11+$0x0] =	vst.idx.msk $0xffff, v3  }
0x56: {  	s16 =	simm.s32 $0x10;
	v2 =	vor.u32 $0x1380, v2;
	v1 =	vld.idx.msk [tilespmem:v1+s9+$0x0], $0xffff  }
.LBB2_4:
0x57: {  	_ =	sdelay $0x2  }
0x58: {  	p0 =	sne.s32 s16, $0x1F0  }
0x59: {  	s15 =	sadd.s32 $0x10, s15;
	s17 =	smov.u32 s16;
	s16 =	sadd.s32 $0x10, s16;
	[tilespmem:v2+s11+$0x0] =	vst.idx.msk $0xffff, v1  }
0x5a: {  	v1 =	vld [tilespmem:s15+$0x0];
	_ =	sdelay $0x4  }
0x5b: {  	v2 =	vor.u32 s17, v0;
	v1 =	vshrl.u32 v1, $0x8  }
0x5c: {  	v3 =	vshll.u32 v2, $0x7;
	v1 =	vand.u32 $0x70, v1  }
0x5d: {  	v1 =	vor.u32 v3, v1;
	_ =	sdelay $0x2  }
0x5e: {  	v3 =	vmov s17  }
0x5f: {  	v4 =	vshll.u32 v3, $0x3  }
0x60: {  	v2 =	vand.u32 $0x7F, v2;
	v3 =	vand.u32 $0xC00, v4;
	v5 =	vld.idx.msk [tilespmem:v1+s9+$0x0], $0xffff  }
0x61: {  	v3 =	vor.u32 v2, v3;
	v2 =	vor.u32 v4, v2  }
0x62: {  	v4 =	vor.u32 $0x1, v1;
	_ =	sdelay $0x3  }
0x63: {  	[tilespmem:v3+s11+$0x0] =	vst.idx.msk $0xffff, v5  }
0x64: {  	v4 =	vld.idx.msk [tilespmem:v4+s9+$0x0], $0xffff  }
0x65: {  	v5 =	vor.u32 $0x80, v3  }
0x66: {  	v6 =	vor.u32 $0x2, v1;
	_ =	sdelay $0x3  }
0x67: {  	[tilespmem:v5+s11+$0x0] =	vst.idx.msk $0xffff, v4  }
0x68: {  	v4 =	vld.idx.msk [tilespmem:v6+s9+$0x0], $0xffff  }
0x69: {  	v5 =	vor.u32 $0x100, v3  }
0x6a: {  	v6 =	vor.u32 $0x3, v1;
	_ =	sdelay $0x3  }
0x6b: {  	[tilespmem:v5+s11+$0x0] =	vst.idx.msk $0xffff, v4  }
0x6c: {  	v4 =	vld.idx.msk [tilespmem:v6+s9+$0x0], $0xffff  }
0x6d: {  	v5 =	vor.u32 $0x180, v3  }
0x6e: {  	v6 =	vor.u32 $0x4, v1;
	_ =	sdelay $0x3  }
0x6f: {  	[tilespmem:v5+s11+$0x0] =	vst.idx.msk $0xffff, v4  }
0x70: {  	v4 =	vld.idx.msk [tilespmem:v6+s9+$0x0], $0xffff  }
0x71: {  	v5 =	vor.u32 $0x200, v3  }
0x72: {  	v6 =	vor.u32 $0x5, v1;
	_ =	sdelay $0x3  }
0x73: {  	[tilespmem:v5+s11+$0x0] =	vst.idx.msk $0xffff, v4  }
0x74: {  	v4 =	vld.idx.msk [tilespmem:v6+s9+$0x0], $0xffff  }
0x75: {  	v5 =	vor.u32 $0x280, v3  }
0x76: {  	v6 =	vor.u32 $0x6, v1;
	_ =	sdelay $0x3  }
0x77: {  	[tilespmem:v5+s11+$0x0] =	vst.idx.msk $0xffff, v4  }
0x78: {  	v4 =	vld.idx.msk [tilespmem:v6+s9+$0x0], $0xffff  }
0x79: {  	v5 =	vor.u32 $0x300, v3  }
0x7a: {  	v6 =	vor.u32 $0x7, v1;
	_ =	sdelay $0x3  }
0x7b: {  	[tilespmem:v5+s11+$0x0] =	vst.idx.msk $0xffff, v4  }
0x7c: {  	v4 =	vld.idx.msk [tilespmem:v6+s9+$0x0], $0xffff  }
0x7d: {  	v5 =	vor.u32 $0x380, v2  }
0x7e: {  	v6 =	vor.u32 $0x8, v1;
	_ =	sdelay $0x3  }
0x7f: {  	[tilespmem:v5+s11+$0x0] =	vst.idx.msk $0xffff, v4  }
0x80: {  	v4 =	vld.idx.msk [tilespmem:v6+s9+$0x0], $0xffff  }
0x81: {  	v5 =	vor.u32 $0x1000, v3  }
0x82: {  	v6 =	vor.u32 $0x9, v1;
	_ =	sdelay $0x3  }
0x83: {  	[tilespmem:v5+s11+$0x0] =	vst.idx.msk $0xffff, v4  }
0x84: {  	v4 =	vld.idx.msk [tilespmem:v6+s9+$0x0], $0xffff  }
0x85: {  	v5 =	vor.u32 $0x1080, v3  }
0x86: {  	v6 =	vor.u32 $0xA, v1;
	_ =	sdelay $0x3  }
0x87: {  	[tilespmem:v5+s11+$0x0] =	vst.idx.msk $0xffff, v4  }
0x88: {  	v4 =	vld.idx.msk [tilespmem:v6+s9+$0x0], $0xffff  }
0x89: {  	v5 =	vor.u32 $0x1100, v3  }
0x8a: {  	v6 =	vor.u32 $0xB, v1;
	_ =	sdelay $0x3  }
0x8b: {  	[tilespmem:v5+s11+$0x0] =	vst.idx.msk $0xffff, v4  }
0x8c: {  	v4 =	vld.idx.msk [tilespmem:v6+s9+$0x0], $0xffff  }
0x8d: {  	v5 =	vor.u32 $0x1180, v3  }
0x8e: {  	v6 =	vor.u32 $0xC, v1;
	_ =	sdelay $0x3  }
0x8f: {  	[tilespmem:v5+s11+$0x0] =	vst.idx.msk $0xffff, v4  }
0x90: {  	v4 =	vld.idx.msk [tilespmem:v6+s9+$0x0], $0xffff  }
0x91: {  	v5 =	vor.u32 $0x1200, v3  }
0x92: {  	v6 =	vor.u32 $0xD, v1;
	_ =	sdelay $0x3  }
0x93: {  	[tilespmem:v5+s11+$0x0] =	vst.idx.msk $0xffff, v4  }
0x94: {  	v4 =	vld.idx.msk [tilespmem:v6+s9+$0x0], $0xffff  }
0x95: {  	v5 =	vor.u32 $0x1280, v3  }
0x96: {  	v6 =	vor.u32 $0xE, v1;
	_ =	sdelay $0x3  }
0x97: {  	[tilespmem:v5+s11+$0x0] =	vst.idx.msk $0xffff, v4  }
0x98: {  	v4 =	vld.idx.msk [tilespmem:v6+s9+$0x0], $0xffff  }
0x99: {  	v3 =	vor.u32 $0x1300, v3  }
0x9a: {  	v1 =	vor.u32 $0xF, v1;
	_ =	sdelay $0x1  }
.Ltmp1:
0x9b: {  	(pc) =	sbr.rel @p0 .LBB2_4-.Ltmp1, $4  }
0x9c: {  	_ = 	snop  }
0x9d: {  	[tilespmem:v3+s11+$0x0] =	vst.idx.msk $0xffff, v4  }
0x9e: {  	v1 =	vld.idx.msk [tilespmem:v1+s9+$0x0], $0xffff  }
0x9f: {  	v2 =	vor.u32 $0x1380, v2  }
0xa0: {  	_ =	sdelay $0x1  }
0xa1: {  	s14 =	sadd.s32 $0x1, s14  }
0xa2: {  	p0 =	sne.s32 s14, s6  }
.Ltmp2:
0xa3: {  	[tilespmem:v2+s11+$0x0] =	vst.idx.msk $0xffff, v1;
	(pc) =	sbr.rel @p0 .LBB2_1-.Ltmp2, $4  }
0xa4: {  	[hbm4b:s5+s12] =	stream.strided.scatter [tilespmem:s11], [sflag:$0x2], $0x2000, s13, s12, $0x38;
	[tilespmem:$0x12400] =	vst v63  }
0xa5: {  	_ =	swait.ge [sflag:s7], $0x2000  }
0xa6: {  	[sflag:s7] =	ssyncset.done $0x0  }
0xa7: {  	[sflag:s7] =	ssyncadd.s32 $0xFFFFE000  }
0xa8: {  	_ =	sfence.sel $0x180000  }
0xa9: {  	[bflag:$0x0] =	sbarrier.arrive $0xFFFF  }
0xaa: {  	p0 =	sne.s32 s1, $0x0;
	_ =	strace $0x90000047  }
0xab: {  	s0 =	sadd.s32 @!p0 $0x100000, s0;
	[bflag:$0x2] =	sbarrier.arrive $0xFFFF  }
0xac: {  	[sflag:s0] =	ssyncadd.tile.s32 @!p0 $0x1;
	_ =	shalt  }
.Lfunc_end2:
_tile_overlayer_lowered:
.L_overlay_start_2:
0xad: {  	(tag) =	ssettag $0x2  }
0xae: {  	s0 =	rddreg [dreg:$0x0];
	s2 =	stileid.u32  }
0xaf: {  	s1 =	rddreg [dreg:$0x1];
	p0 =	sne.s32 s2, $0x0  }
0xb0: {  	s3 =	rddreg [dreg:$0x2];
	[bflag:$0x3] =	sbarrier.arrive $0xFFFF;
	s2 =	simm.s32 @!p0 $0x1C02  }
0xb1: {  	[timem:s3], [sflag:s2] =	dma.local @!p0 [hbm:s0], s1  }
0xb2: {  	s0 =	simm.s32 @!p0 $0x2  }
0xb3: {  	_ =	swait.ge @!p0 [sflag:s0], s1  }
0xb4: {  	s1 =	ssub.s32 @!p0 $0x0, s1;
	[sflag:s0] =	ssyncset.done @!p0 $0x0  }
0xb5: {  	[sflag:s0] =	ssyncadd.s32 @!p0 s1  }
0xb6: {  	[bflag:$0x3] =	sbarrier.arrive $0xFFFF  }
0xb7: {  	_ =	shalt  }

</sc_bundles>
